<compile_context>
chip_gen: v7x
topology: tpu7x:2x2x1
jax: 0.10.2.dev20260603
libtpu: 0.0.44.dev20260713+nightly
codegen_flags: <defaults>
</compile_context>

<pallas_src>
import functools

import jax
import jax.numpy as jnp
from jax import lax
from jax.experimental import pallas as pl
from jax.experimental.pallas import tpu as pltpu
from jax.experimental.pallas import tpu_sc as plsc

N = 8192
D_MODEL = 2048

NC, NS, L = 2, 16, 16
NW = NC * NS
TOK_PER_W = N // NW
CH = 16
NCHUNK = TOK_PER_W // CH


def _sc_combine_probe(x_hbm, out_hbm, idx0_v, idx1_v, rows0_v, rows1_v, s0, s1):
    wid = lax.axis_index("s") * NC + lax.axis_index("c")
    base = wid * TOK_PER_W

    def chunk(c, carry):
        t0 = base + c * CH
        t = lax.broadcasted_iota(jnp.int32, (L,), 0) + t0
        idx0_v[...] = (t * 2 + 1) & (N - 1)
        idx1_v[...] = (t * 7 + 3) & (N - 1)
        cp0 = pltpu.make_async_copy(x_hbm.at[idx0_v], rows0_v, s0)
        cp1 = pltpu.make_async_copy(x_hbm.at[idx1_v], rows1_v, s1)
        cp0.start()
        cp1.start()
        cp0.wait()
        cp1.wait()
        pltpu.sync_copy(rows0_v, out_hbm.at[pl.ds(t0, CH)])
        return carry

    lax.fori_loop(0, NCHUNK, chunk, 0)


@jax.jit
def kernel(x, Wg, Wd, bd, Wu, bu):
    mesh = plsc.VectorSubcoreMesh(core_axis_name="c", subcore_axis_name="s")
    f = functools.partial(
        pl.kernel,
        out_type=jax.ShapeDtypeStruct((N, D_MODEL), jnp.float32),
        mesh=mesh,
        scratch_types=[
            pltpu.VMEM((CH,), jnp.int32),
            pltpu.VMEM((CH,), jnp.int32),
            pltpu.VMEM((CH, D_MODEL), jnp.float32),
            pltpu.VMEM((CH, D_MODEL), jnp.float32),
            pltpu.SemaphoreType.DMA,
            pltpu.SemaphoreType.DMA,
        ],
    )(_sc_combine_probe)
    return f(x)

# --- scband reference (transcript-rebuilt; emitter-appended) ---
"""Pipeline reference for scband-mo-eadapter-layer-29059748725123 (READ-ONLY COPY).

The authoritative reference and input builder live on the scoring server;
editing this copy changes nothing except your own understanding.
"""

import jax, jax.numpy as jnp
import numpy as np

N = 8192
D_MODEL = 2048
BOTTLENECK = 64
NUM_EXPERTS = 8
TOP_K = 2


def setup_inputs(seed: int = 0) -> dict:
    key = jax.random.key(seed)
    ks = jax.random.split(key, 6)
    x = jax.random.normal(ks[0], (N, D_MODEL), dtype=jnp.float32)
    # Router gate: Linear(d_model, num_experts, bias=False) -> weight (E, d_model)
    Wg = jax.random.normal(ks[1], (NUM_EXPERTS, D_MODEL), dtype=jnp.float32) * 0.02
    # Per-expert adapter params (stacked across experts).
    # down: Linear(d_model, bottleneck) -> weight (E, bottleneck, d_model), bias (E, bottleneck)
    Wd = jax.random.normal(ks[2], (NUM_EXPERTS, BOTTLENECK, D_MODEL), dtype=jnp.float32) * 0.02
    bd = jax.random.normal(ks[3], (NUM_EXPERTS, BOTTLENECK), dtype=jnp.float32) * 0.02
    # up: Linear(bottleneck, d_model) -> weight (E, d_model, bottleneck), bias (E, d_model)
    # (torch init zeros these; we use small random values so the reference is nontrivial)
    Wu = jax.random.normal(ks[4], (NUM_EXPERTS, D_MODEL, BOTTLENECK), dtype=jnp.float32) * 0.02
    bu = jax.random.normal(ks[5], (NUM_EXPERTS, D_MODEL), dtype=jnp.float32) * 0.02
    return {"x": x, "Wg": Wg, "Wd": Wd, "bd": bd, "Wu": Wu, "bu": bu}


def reference(x, Wg, Wd, bd, Wu, bu):
    # Router (x is 2D, so pooled == x)
    logits = x @ Wg.T                               # (N, E)
    gate_scores = jax.nn.softmax(logits, axis=-1)   # (N, E)
    top_weights, top_indices = jax.lax.top_k(gate_scores, TOP_K)  # (N, K)
    top_weights = top_weights / (jnp.sum(top_weights, axis=-1, keepdims=True) + 1e-08)
    # Expert adapters: down -> GELU(exact/erf, matching torch nn.GELU) -> up
    down = jnp.einsum('nd,ebd->neb', x, Wd) + bd[None, :, :]        # (N, E, bneck)
    h = jax.nn.gelu(down, approximate=False)
    up = jnp.einsum('neb,edb->ned', h, Wu) + bu[None, :, :]         # (N, E, d_model)
    # Gather selected experts per token and combine with normalized top-k weights
    sel = jnp.take_along_axis(up, top_indices[:, :, None], axis=1)  # (N, K, d_model)
    output = jnp.sum(sel * top_weights[:, :, None], axis=1)          # (N, d_model)
    return output

if __name__ == "__main__":
    import jax
    _d = setup_inputs()
    print(jax.jit(kernel)(*tuple(_d.values())))

</pallas_src>

<mosaic_0001>
#map = affine_map<(d0, d1) -> (0, 0)>
module attributes {stable_mosaic.version = 14 : i64} {
  func.func @_sc_combine_probe(%arg0: i32, %arg1: i32, %arg2: memref<8192x2048xf32, #tpu.memory_space<hbm>>, %arg3: memref<8192x2048xf32, #tpu.memory_space<hbm>>, %arg4: memref<16xi32, #tpu.memory_space<vmem>>, %arg5: memref<16xi32, #tpu.memory_space<vmem>>, %arg6: memref<16x2048xf32, #tpu.memory_space<vmem>>, %arg7: memref<16x2048xf32, #tpu.memory_space<vmem>>, %arg8: memref<!tpu.dma_semaphore, #tpu.memory_space<semaphore_mem>>, %arg9: memref<!tpu.dma_semaphore, #tpu.memory_space<semaphore_mem>>) attributes {dimension_semantics = [#tpu.dimension_semantics<core_parallel>, #tpu.dimension_semantics<subcore_parallel>], iteration_bounds = array<i64: 2, 16>, scalar_prefetch = 0 : i64, scratch_operands = 6 : i64, tpu.core_type = #tpu.core_type<sc_vector_subcore>, window_params = [{transform_indices = #map}, {transform_indices = #map}]} {
    %mul3A = arith.constant 2 : i32
    %mul3A_0 = arith.muli %arg1, %mul3A : i32
    %add3A = arith.addi %mul3A_0, %arg0 : i32
    %mul3A_1 = arith.constant 256 : i32
    %mul3A_2 = arith.muli %add3A, %mul3A_1 : i32
    %scan3A = arith.constant 0 : i32
    %scan3A_3 = arith.constant 0 : i32
    %scan3A_4 = arith.constant 16 : i32
    %scan3A_5 = arith.addi %scan3A_3, %scan3A_4 : i32
    %scan3A_6 = arith.constant 1 : i32
    scf.for %scan3A_8 = %scan3A_3 to %scan3A_5 step %scan3A_6  : i32 {
      %mul3A_9 = arith.constant 16 : i32
      %mul3A_10 = arith.muli %scan3A_8, %mul3A_9 : i32
      %add3A_11 = arith.addi %mul3A_2, %mul3A_10 : i32
      %iota3A = tpu.iota {dimensions = array<i32: 0>} : vector<16xi32>
      %add3A_12 = vector.broadcast %add3A_11 : i32 to vector<16xi32>
      %add3A_13 = arith.addi %iota3A, %add3A_12 : vector<16xi32>
      %mul3A_14 = arith.constant 2 : i32
      %mul3A_15 = vector.broadcast %mul3A_14 : i32 to vector<16xi32>
      %mul3A_16 = arith.muli %add3A_13, %mul3A_15 : vector<16xi32>
      %add3A_17 = arith.constant 1 : i32
      %add3A_18 = vector.broadcast %add3A_17 : i32 to vector<16xi32>
      %add3A_19 = arith.addi %mul3A_16, %add3A_18 : vector<16xi32>
      %and3A = arith.constant 8191 : i32
      %and3A_20 = vector.broadcast %and3A : i32 to vector<16xi32>
      %and3A_21 = arith.andi %add3A_19, %and3A_20 : vector<16xi32>
      %swap3A = arith.constant 0 : index
      %swap3A_22 = tpu.vector_load %arg4[%swap3A] {strides = array<i32>} : memref<16xi32, #tpu.memory_space<vmem>>, vector<16xi32>,
      %swap3A_23 = vector.shape_cast %swap3A_22 : vector<16xi32> to vector<16xi32>
      %swap3A_24 = vector.shape_cast %and3A_21 : vector<16xi32> to vector<16xi32>
      tpu.vector_store %arg4[%swap3A], %swap3A_24 {strides = array<i32>} : memref<16xi32, #tpu.memory_space<vmem>>, vector<16xi32>,
      %mul3A_25 = arith.constant 7 : i32
      %mul3A_26 = vector.broadcast %mul3A_25 : i32 to vector<16xi32>
      %mul3A_27 = arith.muli %add3A_13, %mul3A_26 : vector<16xi32>
      %add3A_28 = arith.constant 3 : i32
      %add3A_29 = vector.broadcast %add3A_28 : i32 to vector<16xi32>
      %add3A_30 = arith.addi %mul3A_27, %add3A_29 : vector<16xi32>
      %and3A_31 = arith.constant 8191 : i32
      %and3A_32 = vector.broadcast %and3A_31 : i32 to vector<16xi32>
      %and3A_33 = arith.andi %add3A_30, %and3A_32 : vector<16xi32>
      %swap3A_34 = arith.constant 0 : index
      %swap3A_35 = tpu.vector_load %arg5[%swap3A_34] {strides = array<i32>} : memref<16xi32, #tpu.memory_space<vmem>>, vector<16xi32>,
      %swap3A_36 = vector.shape_cast %swap3A_35 : vector<16xi32> to vector<16xi32>
      %swap3A_37 = vector.shape_cast %and3A_33 : vector<16xi32> to vector<16xi32>
      tpu.vector_store %arg5[%swap3A_34], %swap3A_37 {strides = array<i32>} : memref<16xi32, #tpu.memory_space<vmem>>, vector<16xi32>,
      %dma_start3A = arith.constant 0 : i32
      %dma_start3A_38 = arith.constant 0 : i32
      %dma_start3A_39 = tpu.memref_slice %arg2[%dma_start3A, %dma_start3A_38] : memref<8192x2048xf32, #tpu.memory_space<hbm>> -> memref<8192x2048xf32, #tpu.memory_space<hbm>>
      tpu.enqueue_indirect_dma source(%dma_start3A_39 : memref<8192x2048xf32, #tpu.memory_space<hbm>>) target(%arg6 : memref<16x2048xf32, #tpu.memory_space<vmem>>) offsets(%arg4 : memref<16xi32, #tpu.memory_space<vmem>>) semaphore(%arg8 : memref<!tpu.dma_semaphore, #tpu.memory_space<semaphore_mem>>)
      %dma_start3A_40 = arith.constant 0 : i32
      %dma_start3A_41 = arith.constant 0 : i32
      %dma_start3A_42 = tpu.memref_slice %arg2[%dma_start3A_40, %dma_start3A_41] : memref<8192x2048xf32, #tpu.memory_space<hbm>> -> memref<8192x2048xf32, #tpu.memory_space<hbm>>
      tpu.enqueue_indirect_dma source(%dma_start3A_42 : memref<8192x2048xf32, #tpu.memory_space<hbm>>) target(%arg7 : memref<16x2048xf32, #tpu.memory_space<vmem>>) offsets(%arg5 : memref<16xi32, #tpu.memory_space<vmem>>) semaphore(%arg9 : memref<!tpu.dma_semaphore, #tpu.memory_space<semaphore_mem>>)
      %dma_wait3A = arith.constant 0 : i32
      %dma_wait3A_43 = arith.constant 0 : i32
      %dma_wait3A_44 = tpu.memref_slice %arg2[%dma_wait3A, %dma_wait3A_43] : memref<8192x2048xf32, #tpu.memory_space<hbm>> -> memref<8192x2048xf32, #tpu.memory_space<hbm>>
      tpu.wait_indirect_dma semaphore(%arg8 : memref<!tpu.dma_semaphore, #tpu.memory_space<semaphore_mem>>) src(%dma_wait3A_44 : memref<8192x2048xf32, #tpu.memory_space<hbm>>) dst(%arg6 : memref<16x2048xf32, #tpu.memory_space<vmem>>)
      %dma_wait3A_45 = arith.constant 0 : i32
      %dma_wait3A_46 = arith.constant 0 : i32
      %dma_wait3A_47 = tpu.memref_slice %arg2[%dma_wait3A_45, %dma_wait3A_46] : memref<8192x2048xf32, #tpu.memory_space<hbm>> -> memref<8192x2048xf32, #tpu.memory_space<hbm>>
      tpu.wait_indirect_dma semaphore(%arg9 : memref<!tpu.dma_semaphore, #tpu.memory_space<semaphore_mem>>) src(%dma_wait3A_47 : memref<8192x2048xf32, #tpu.memory_space<hbm>>) dst(%arg7 : memref<16x2048xf32, #tpu.memory_space<vmem>>)
      "tpu.region"() ({
        %run_scoped3A = tpu.sem_alloc : memref<!tpu.dma_semaphore, #tpu.memory_space<semaphore_mem>>
        %dma_start3A_48 = arith.constant 0 : i32
        %dma_start3A_49 = tpu.memref_slice %arg3[%add3A_11, %dma_start3A_48] : memref<8192x2048xf32, #tpu.memory_space<hbm>> -> memref<16x2048xf32, #tpu.memory_space<hbm>>
        %dma_start3A_50 = arith.constant 0 : i32
        %dma_start3A_51 = tpu.memref_slice %arg3[%add3A_11, %dma_start3A_50] : memref<8192x2048xf32, #tpu.memory_space<hbm>> -> memref<16x2048xf32, #tpu.memory_space<hbm>>
        tpu.enqueue_dma source(%arg6 : memref<16x2048xf32, #tpu.memory_space<vmem>>) target(%dma_start3A_51 : memref<16x2048xf32, #tpu.memory_space<hbm>>) target_semaphore(%run_scoped3A : memref<!tpu.dma_semaphore, #tpu.memory_space<semaphore_mem>>)
        %dma_wait3A_52 = arith.constant 0 : i32
        %dma_wait3A_53 = tpu.memref_slice %arg3[%add3A_11, %dma_wait3A_52] : memref<8192x2048xf32, #tpu.memory_space<hbm>> -> memref<16x2048xf32, #tpu.memory_space<hbm>>
        %dma_wait3A_54 = arith.constant 0 : i32
        %dma_wait3A_55 = tpu.memref_slice %arg3[%add3A_11, %dma_wait3A_54] : memref<8192x2048xf32, #tpu.memory_space<hbm>> -> memref<16x2048xf32, #tpu.memory_space<hbm>>
        tpu.wait_dma2 semaphore(%run_scoped3A : memref<!tpu.dma_semaphore, #tpu.memory_space<semaphore_mem>>) src(%arg6 : memref<16x2048xf32, #tpu.memory_space<vmem>>) dst(%dma_wait3A_55 : memref<16x2048xf32, #tpu.memory_space<hbm>>)
        tpu.yield
      }) : () -> ()
    }
    %scan3A_7 = arith.constant 16 : i32
    return
  }
}

</mosaic_0001>

<sc_bundles>
// kernel: kernel.3.cloned.1.call-start
scs
__scs_entry_jumppad:
0x0: {  	(pc) =	sbr.rel $0x88, $3  }
0x1: {  	(tag) =	ssettag $0x0;
	lr =	simm.s32 $0x1  }
0x2: {  	[smem:$0x3FA0] =	sst lr;
	_ =	strace $0xD0000000  }
0x3: {  	_ = 	snop  }
0x4: {  	_ = 	snop  }
0x5: {  	_ = 	snop  }
0x6: {  	_ = 	snop  }
0x7: {  	_ = 	snop  }
__scs_overlays_trampoline_lowered:
0x8: {  	[smem:$0x3FAF] =	sst s0  }
0x9: {  	[smem:$0x3FB0] =	sst s1  }
0xa: {  	[smem:$0x3FB1] =	sst s2  }
0xb: {  	[smem:$0x3FB2] =	sst s3  }
0xc: {  	[smem:$0x3FB3] =	sst s4  }
0xd: {  	[smem:$0x3FB4] =	sst s5  }
0xe: {  	[smem:$0x3FB5] =	sst s6  }
0xf: {  	[smem:$0x3FB6] =	sst s7  }
0x10: {  	[smem:$0x3FB7] =	sst s8  }
0x11: {  	[smem:$0x3FB8] =	sst s9;
	s0 =	simm.s32 @!p0 $0x0  }
0x12: {  	s1 =	sld [smem:$0x3F9E];
	s0 =	simm.s32 @p0 $0x1  }
0x13: {  	[smem:$0x3FB9] =	sst s0;
	s0 =	simm.s32 @!p1 $0x0  }
0x14: {  	s2 =	sld [smem:$0x3F9D];
	s0 =	simm.s32 @p1 $0x1  }
0x15: {  	[smem:$0x3FBA] =	sst s0;
	s0 =	simm.s32 @!p2 $0x0  }
0x16: {  	s3 =	sld [smem:$0x3FDB];
	s0 =	simm.s32 @p2 $0x1  }
0x17: {  	s4 =	simm.s32 $0x1BF5;
	[smem:$0x3FBC] =	sst s0  }
0x18: {  	s0 =	sld [smem:$0x3F9F];
	_ =	swait.ge [sflag:s4], $0x0  }
0x19: {  	s7 =	sld [smem:$0x3FA0]  }
0x1a: {  	s8 =	sadd.s32 $0xFFFFE003, lr  }
0x1b: {  	s9 =	sadd.s32 $0xFFFFFEF7, lr;
	s5 =	simm.s32 $0xFFFFFFFF;
	p2 =	slt.u32 s8, $0xFFFFF086  }
0x1c: {  	p1 =	slt.u32 s9, $0xF7A;
	s5 =	simm.s32 @!p2 $0x0  }
0x1d: {  	s5 =	simm.s32 @p1 $0x1;
	p0 =	seq.s32 s7, s2  }
0x1e: {  	s7 =	smul.u32 @!p0 $0xF7A, s2;
	p2 =	seq.s32 @!p0 s5, $0x0  }
0x1f: {  	s9 =	smul.u32 $0xF7A, s1;
	s8 =	simm.s32 @!p0 $0x1BF5;
	p2 =	por !p2, p0  }
0x20: {  	[sflag:s8] =	ssyncset.s32 @!p0 $0xFFFFF086;
	s6 =	sadd.s32 @!p0 s3, s7;
	s7 =	simm.s32 @!p0 $0x108  }
0x21: {  	s3 =	sadd.s32 s3, s9;
	s6 =	sadd.s32 @!p0 $0x88, s6;
	s7 =	simm.s32 @p2 $0x1082  }
0x22: {  	[simem:s7], [sflag:s8] =	dma.local @!p0 [hbm:s6], $0xF7A  }
0x23: {  	s9 =	sor.u32 $0xD0000000, s2;
	s6 =	simm.s32 $0x108;
	_ =	swait.ge @!p0 [sflag:s8], $0x0  }
0x24: {  	s3 =	sadd.s32 $0x88, s3;
	s6 =	simm.s32 @!p1 $0x1082;
	[sflag:s4] =	ssyncset.s32 $0xFFFFF086  }
0x25: {  	[simem:s6], [sflag:s4] =	dma.local [hbm:s3], $0xF7A  }
0x26: {  	[smem:$0x3FA0] =	sst s1;
	(tag) =	ssettag s2;
	_ =	strace s9  }
0x27: {  	s1 =	sld [smem:$0x3FB0]  }
0x28: {  	s2 =	sld [smem:$0x3FB1]  }
0x29: {  	s4 =	sld [smem:$0x3FB3]  }
0x2a: {  	p0 =	seq.s32 s5, $0x0;
	s5 =	sld [smem:$0x3FB4]  }
0x2b: {  	s6 =	sld [smem:$0x3FB5]  }
0x2c: {  	s7 =	sld [smem:$0x3FB6]  }
0x2d: {  	s3 =	simm.s32 $0x108;
	s8 =	sld [smem:$0x3FB7]  }
0x2e: {  	s3 =	simm.s32 @!p0 $0x1082;
	s9 =	sld [smem:$0x3FB8]  }
0x2f: {  	lr =	sadd.s32 s0, s3;
	s0 =	sld [smem:$0x3FAF]  }
0x30: {  	s3 =	sld [smem:$0x3FB2]  }
0x31: {  	[smem:$0x3FBB] =	sst s10  }
0x32: {  	s10 =	sld [smem:$0x3FB9];
	_ =	sdelay $0x3  }
0x33: {  	p0 =	seq.s32 s10, $0x1;
	s10 =	sld [smem:$0x3FBB];
	_ =	sdelay $0x3  }
0x34: {  	[smem:$0x3FBB] =	sst s10  }
0x35: {  	s10 =	sld [smem:$0x3FBA];
	_ =	sdelay $0x3  }
0x36: {  	p1 =	seq.s32 s10, $0x1;
	s10 =	sld [smem:$0x3FBB];
	_ =	sdelay $0x3  }
0x37: {  	[smem:$0x3FBB] =	sst s10  }
0x38: {  	s10 =	sld [smem:$0x3FBC]  }
0x39: {  	_ = 	snop;
	(pc) =	sbr.ind lr, $3  }
0x3a: {  	_ = 	snop  }
0x3b: {  	_ = 	snop  }
0x3c: {  	p2 =	seq.s32 s10, $0x1;
	s10 =	sld [smem:$0x3FBB]  }
0x3d: {  	_ =	shalt  }
0x3e: {  	_ =	shalt  }
0x3f: {  	_ =	shalt  }
0x40: {  	_ =	shalt  }
0x41: {  	_ =	shalt  }
0x42: {  	_ =	shalt  }
0x43: {  	_ =	shalt  }
0x44: {  	_ =	shalt  }
0x45: {  	_ =	shalt  }
0x46: {  	_ =	shalt  }
0x47: {  	_ =	shalt  }
0x48: {  	_ =	shalt  }
0x49: {  	_ =	shalt  }
0x4a: {  	_ =	shalt  }
0x4b: {  	_ =	shalt  }
0x4c: {  	_ =	shalt  }
0x4d: {  	_ =	shalt  }
0x4e: {  	_ =	shalt  }
0x4f: {  	_ =	shalt  }
0x50: {  	_ =	shalt  }
0x51: {  	_ =	shalt  }
0x52: {  	_ =	shalt  }
0x53: {  	_ =	shalt  }
0x54: {  	_ =	shalt  }
0x55: {  	_ =	shalt  }
0x56: {  	_ =	shalt  }
0x57: {  	_ =	shalt  }
0x58: {  	_ =	shalt  }
0x59: {  	_ =	shalt  }
0x5a: {  	_ =	shalt  }
0x5b: {  	_ =	shalt  }
0x5c: {  	_ =	shalt  }
0x5d: {  	_ =	shalt  }
0x5e: {  	_ =	shalt  }
0x5f: {  	_ =	shalt  }
0x60: {  	_ =	shalt  }
0x61: {  	_ =	shalt  }
0x62: {  	_ =	shalt  }
0x63: {  	_ =	shalt  }
0x64: {  	_ =	shalt  }
0x65: {  	_ =	shalt  }
0x66: {  	_ =	shalt  }
0x67: {  	_ =	shalt  }
0x68: {  	_ =	shalt  }
0x69: {  	_ =	shalt  }
0x6a: {  	_ =	shalt  }
0x6b: {  	_ =	shalt  }
0x6c: {  	_ =	shalt  }
0x6d: {  	_ =	shalt  }
0x6e: {  	_ =	shalt  }
0x6f: {  	_ =	shalt  }
0x70: {  	_ =	shalt  }
0x71: {  	_ =	shalt  }
0x72: {  	_ =	shalt  }
0x73: {  	_ =	shalt  }
0x74: {  	_ =	shalt  }
0x75: {  	_ =	shalt  }
0x76: {  	_ =	shalt  }
0x77: {  	_ =	shalt  }
0x78: {  	_ =	shalt  }
0x79: {  	_ =	shalt  }
0x7a: {  	_ =	shalt  }
0x7b: {  	_ =	shalt  }
0x7c: {  	_ =	shalt  }
0x7d: {  	_ =	shalt  }
0x7e: {  	_ =	shalt  }
0x7f: {  	_ =	shalt  }
0x80: {  	_ =	shalt  }
0x81: {  	_ =	shalt  }
0x82: {  	_ =	shalt  }
0x83: {  	_ =	shalt  }
0x84: {  	_ =	shalt  }
0x85: {  	_ =	shalt  }
0x86: {  	_ =	shalt  }
0x87: {  	_ =	shalt  }
.Lfunc_end0:
.L_simem_size_0:
called_computation_lowered:
.L_overlay_start_0:
0x88: {  	s2 =	sld [smem:$0x3FD9]  }
0x89: {  	s3 =	sld [smem:$0x3FFE];
	_ =	sdelay $0x1  }
0x8a: {  	s1 =	srdreg.scid  }
0x8b: {  	s0 =	sand.u32 $0x1, s1  }
0x8c: {  	s18 =	sshll.u32 s0, $0xA;
	s2 =	sadd.s32 s3, s2  }
0x8d: {  	s2 =	sadd.s32 s2, s18  }
0x8e: {  	[smem:$0x3FC7] =	sst s2  }
0x8f: {  	_ = 	snop  }
0x90: {  	s2 =	sld [smem:$0x3FC9]  }
0x91: {  	s19 =	sld [smem:$0x3FD0];
	(tm) =	ssettm $0x1  }
0x92: {  	s4 =	sld [smem:$0x3FFB];
	_ =	sdelay $0x3  }
0x93: {  	_ =	strace s4  }
0x94: {  	s4 =	sld [smem:$0x3FFC];
	_ =	sdelay $0x3  }
0x95: {  	_ =	strace s4  }
0x96: {  	s4 =	sld [smem:$0x3FFD];
	_ =	sdelay $0x3  }
0x97: {  	_ =	strace s4  }
0x98: {  	_ =	strace $0x8FFFFFFF  }
0x99: {  	s20 =	sld [smem:$0x3FDB];
	_ =	sdelay $0x1  }
0x9a: {  	s5 =	simm.s32 $_scs_section_size  }
0x9b: {  	s6 =	simm.s32 $_size__tile_overlayer_lowered;
	s7 =	simm.s32 $_tile_overlayer_lowered  }
0x9c: {  	s23 =	simm.s32 $0x1BFF;
	s22 =	sshll.u32 s7, $0x1;
	s4 =	sadd.s32 s5, s20  }
0x9d: {  	s8 =	simm.s32 $0x0;
	s21 =	sshll.u32 s6, $0x1;
	s6 =	sadd.s32 s22, s4  }
0x9e: {  	[timem:s8], [sflag:s23] =	dma.local [hbm:s6], s21  }
0x9f: {  	_ =	swait.ge [sflag:s23], s21  }
0xa0: {  	s5 =	ssub.s32 $0x0, s21;
	[sflag:s23] =	ssyncset.done $0x0  }
0xa1: {  	[sflag:s23] =	ssyncadd.s32 s5;
	_ =	sdelay $0x1  }
0xa2: {  	s24 =	simm.s32 $0x1B8B  }
0xa3: {  	_ =	swait.ge [sflag:s24], $0x1  }
0xa4: {  	[sflag:s24] =	ssyncset.done $0x0  }
0xa5: {  	s25 =	simm.s32 $0x1B8E;
	[sflag:s24] =	ssyncadd.s32 $0xFFFFFFFF  }
0xa6: {  	s26 =	simm.s32 $execute0_lowered;
	[smem:$0x3FD2] =	sst s25  }
0xa7: {  	s5 =	sshll.u32 s26, $0x1;
	_ =	strace $0x80000046;
	[dreg:$0x1] =	wrdreg $0xFFFFFFFF  }
0xa8: {  	s28 =	simm.s32 $_size_execute0_lowered;
	s4 =	sadd.s32 s4, s5;
	[dreg:$0x0] =	wrdreg $0x0  }
0xa9: {  	s5 =	sshll.u32 s28, $0x1;
	[dreg:$0x2] =	wrdreg s4  }
0xaa: {  	[dreg:$0x3] =	wrdreg s5  }
0xab: {  	[dreg:$0x4] =	wrdreg $0xC0  }
0xac: {  	_ =	task [dreg:s8], $0x5FFFF  }
0xad: {  	[dreg:$0x1] =	wrdreg $0xFFFFFFFF  }
0xae: {  	[dreg:$0x0] =	wrdreg $0x60  }
0xaf: {  	[dreg:$0x2] =	wrdreg s2  }
0xb0: {  	[dreg:$0x3] =	wrdreg s19  }
0xb1: {  	[dreg:$0x4] =	wrdreg $0x9  }
0xb2: {  	_ =	task.clear_ibuf [dreg:s8], $0x5FFFF;
	_ =	strace $0x90000046  }
0xb3: {  	s29 =	simm.s32 $0x9;
	_ =	strace $0x80000048  }
0xb4: {  	_ =	swait.ge [sflag:s29], $0x1  }
0xb5: {  	[sflag:s29] =	ssyncadd.s32 $0xFFFFFFFF  }
0xb6: {  	_ =	strace $0x90000048  }
0xb7: {  	_ =	sfence  }
0xb8: {  	s30 =	sld [smem:$0x0];
	_ =	sdelay $0x2  }
0xb9: {  	s31 =	sshll.u32 s1, $0xD;
	s1 =	sshrl.u32 s1, $0x2  }
0xba: {  	s3 =	sand.u32 $0x4000, s31;
	s1 =	sadd.s32 s1, s30  }
0xbb: {  	s0 =	sor.u32 s3, s0;
	s1 =	sshll.u32 s1, $0x11  }
0xbc: {  	s0 =	sor.u32 s1, s0  }
0xbd: {  	s0 =	sadd.s32 $0x8F2B, s0  }
0xbe: {  	[sflag:s0] =	ssyncadd.remote.s32 $0x1  }
0xbf: {  	_ =	sfence.sel $0xFFFF  }
0xc0: {  	[dreg:$0x0] =	wrdreg $0xFFFFFFFF;
	(pc) =	sbr.abs _section_cstart, $3  }
0xc1: {  	[dreg:$0x1] =	wrdreg $0xFFFFFFFF  }
0xc2: {  	_ =	task.clear_ibuf [dreg:s8], $0x2FFFF;
	_ =	strace $0x9FFFFFFF  }
0xc3: {  	(tm) =	ssettm $0x7FFFFFFF  }
tec
execute0_lowered:
.L_overlay_start_1:
0x0: {  	(tag) =	ssettag $0x1  }
0x1: {  	s1 =	rddreg [dreg:$0x0]  }
0x2: {  	s0 =	rddreg [dreg:$0x1]  }
0x3: {  	s2 =	srdreg.scid;
	s3 =	simm.s32 $0x0;
	s13 =	stileid.u32  }
0x4: {  	s12 =	simm.s32 $0x900;
	s14 =	simm.s32 $0x1100;
	[smem:$0x7FF] =	sst s3  }
0x5: {  	s16 =	simm.s32 $0x1900;
	_ =	strace $0x80000047;
	[dreg:$0x4] =	wrdreg s12  }
0x6: {  	s17 =	simm.s32 $0x2100;
	s18 =	simm.s32 $0x2900;
	[dreg:$0x5] =	wrdreg s14  }
0x7: {  	s19 =	simm.s32 $0x3100;
	s7 =	simm.s32 $0x3900;
	[dreg:$0x6] =	wrdreg s16  }
0x8: {  	s8 =	simm.s32 $0x4100;
	s9 =	simm.s32 $0x4900;
	[dreg:$0x7] =	wrdreg s17  }
0x9: {  	s10 =	simm.s32 $0x5100;
	s20 =	simm.s32 $0x6100;
	[dreg:$0x8] =	wrdreg s18  }
0xa: {  	s21 =	simm.s32 $0x6900;
	s22 =	simm.s32 $0x7100;
	[dreg:$0x9] =	wrdreg s19  }
0xb: {  	s23 =	simm.s32 $0x7900;
	s24 =	simm.s32 $0x8100;
	[dreg:$0xa] =	wrdreg s7  }
0xc: {  	s25 =	simm.s32 $0x8900;
	s26 =	simm.s32 $0x9100;
	[dreg:$0xb] =	wrdreg s8  }
0xd: {  	s28 =	simm.s32 $0x1;
	s29 =	simm.s32 $0x2;
	[dreg:$0xc] =	wrdreg s9  }
0xe: {  	s30 =	simm.s32 $0x3;
	s31 =	simm.s32 $0x0;
	[dreg:$0xd] =	wrdreg s10  }
0xf: {  	s2 =	sand.u32 $0x1, s2;
	s4 =	sshll.u32 s13, $0x9;
	[dreg:$0xf] =	wrdreg s20  }
0x10: {  	s13 =	sshll.u32 s13, $0x11;
	s5 =	sshll.u32 s2, $0x8;
	[dreg:$0x10] =	wrdreg s21  }
0x11: {  	s15 =	ssub.s32 $0x2, s2;
	s7 =	sadd.s32 $0x400, s1;
	[dreg:$0x11] =	wrdreg s22  }
0x12: {  	s8 =	sadd.s32 $0x500, s1;
	s9 =	sadd.s32 $0x600, s1;
	[dreg:$0x12] =	wrdreg s23  }
0x13: {  	s12 =	simm.s32 $0x5900;
	s10 =	sadd.s32 $0x700, s1;
	[dreg:$0x13] =	wrdreg s24  }
0x14: {  	s0 =	sadd.s32 s13, s0;
	s2 =	sshll.u32 s2, $0x10;
	[dreg:$0x14] =	wrdreg s25  }
0x15: {  	s13 =	simm.s32 $0x100;
	[dreg:$0x15] =	wrdreg s26;
	s14 =	simm.s32 $0x9900  }
0x16: {  	s16 =	simm.s32 $0xA900;
	s17 =	simm.s32 $0xB100;
	s18 =	simm.s32 $0xB900  }
0x17: {  	s19 =	simm.s32 $0xC100;
	s20 =	simm.s32 $0xC900;
	s21 =	simm.s32 $0xD100  }
0x18: {  	s22 =	simm.s32 $0xD900;
	s23 =	simm.s32 $0xE100;
	s24 =	simm.s32 $0xE900  }
0x19: {  	s25 =	simm.s32 $0xF100;
	s26 =	simm.s32 $0xF900;
	s4 =	sor.u32 s5, s4  }
0x1a: {  	s6 =	sshrl.u32 s15, $0x1;
	s5 =	sadd.s32 $0x200, s1;
	[dreg:$0xe] =	wrdreg s12  }
0x1b: {  	v0 =	vlaneseq.u32;
	s0 =	sadd.s32 s2, s0;
	[dreg:$0x3] =	wrdreg s4;
	s11 =	ssub.s32 s15, s6  }
0x1c: {  	vm0 =	vmmov $0xffff;
	v2 =	vshrl.u32 v0, $0x3;
	s4 =	sadd.s32 $0x100, s1;
	[dreg:$0x17] =	wrdreg s0;
	s11 =	smax.u32 s11, $0x1  }
0x1d: {  	v1 =	vand.u32 $0x7, v0;
	v3 =	vor.u32 $0x8, v0;
	v2 =	vmul.u32 $0x8, v2;
	s6 =	sadd.s32 $0x300, s1;
	s15 =	simm.s32 $0xA100;
	[dreg:$0x16] =	wrdreg s11  }
.LBB2_1:
0x1e: {  	s12 =	rddreg [dreg:$0x17];
	s2 =	simm.s32 $0x0  }
.LBB2_2:
0x1f: {  	s11 =	rddreg [dreg:$0x3]  }
0x20: {  	s11 =	sadd.s32 s2, s11  }
0x21: {  	v4 =	vor.u32 s11, v0  }
0x22: {  	v5 =	vshll.u32 v4, $0x1  }
0x23: {  	v5 =	vand.u32 $0x1FFE, v5  }
0x24: {  	v5 =	vor.u32 $0x1, v5  }
0x25: {  	[tilespmem:$0x0] =	vst v5  }
0x26: {  	v5 =	vld [tilespmem:$0x0];
	_ =	sdelay $0x4  }
0x27: {  	v6 =	vshll.u32 v5, $0x4  }
0x28: {  	v5 =	vand.u32 $0x7, v5;
	v6 =	vand.u32 $0xFFFFFF80, v6  }
0x29: {  	v5 =	vor.u32 v5, v6  }
0x2a: {  	v6 =	vperm.xlane v5, v1;
	_ =	sdelay $0x1  }
0x2b: {  	v4 =	vmul.u32 $0x7, v4;
	v6 =	vadd.s32 v2, v6;
	_ =	sdelay $0x1  }
0x2c: {  	v4 =	vadd.s32 $0x3, v4  }
0x2d: {  	v4 =	vand.u32 $0x1FFF, v4  }
0x2e: {  	[tilespmem:$0x80] =	vst v4  }
0x2f: {  	[tilespmem:s13], [sflag:$0x1] =	stream.indirect_vreg.gather [hbm4b:s1+s3], $0x80, v6, vm0, $0xb8;
	[tilespmem:$0x10100] =	vst v63  }
0x30: {  	s11 =	rddreg [dreg:$0x4]  }
0x31: {  	[tilespmem:s11], [sflag:$0x1] =	stream.indirect_vreg.gather [hbm4b:s4+s3], $0x80, v6, vm0, $0xb8;
	[tilespmem:$0x10100] =	vst v63  }
0x32: {  	s0 =	rddreg [dreg:$0x5]  }
0x33: {  	[tilespmem:s0], [sflag:$0x1] =	stream.indirect_vreg.gather [hbm4b:s5+s3], $0x80, v6, vm0, $0xb8;
	[tilespmem:$0x10100] =	vst v63  }
0x34: {  	s11 =	rddreg [dreg:$0x6]  }
0x35: {  	[tilespmem:s11], [sflag:$0x1] =	stream.indirect_vreg.gather [hbm4b:s6+s3], $0x80, v6, vm0, $0xb8;
	[tilespmem:$0x10100] =	vst v63  }
0x36: {  	s0 =	rddreg [dreg:$0x7]  }
0x37: {  	[tilespmem:s0], [sflag:$0x1] =	stream.indirect_vreg.gather [hbm4b:s7+s3], $0x80, v6, vm0, $0xb8;
	[tilespmem:$0x10100] =	vst v63  }
0x38: {  	v4 =	vperm.xlane v5, v3;
	s11 =	rddreg [dreg:$0x8]  }
0x39: {  	[tilespmem:s11], [sflag:$0x1] =	stream.indirect_vreg.gather [hbm4b:s8+s3], $0x80, v6, vm0, $0xb8;
	[tilespmem:$0x10100] =	vst v63  }
0x3a: {  	v4 =	vadd.s32 v2, v4;
	s0 =	rddreg [dreg:$0x9]  }
0x3b: {  	[tilespmem:s0], [sflag:$0x1] =	stream.indirect_vreg.gather [hbm4b:s9+s3], $0x80, v6, vm0, $0xb8;
	[tilespmem:$0x10100] =	vst v63  }
0x3c: {  	s11 =	rddreg [dreg:$0xa]  }
0x3d: {  	[tilespmem:s11], [sflag:$0x1] =	stream.indirect_vreg.gather [hbm4b:s10+s3], $0x80, v6, vm0, $0xb8;
	[tilespmem:$0x10100] =	vst v63  }
0x3e: {  	s0 =	rddreg [dreg:$0xb]  }
0x3f: {  	[tilespmem:s0], [sflag:$0x1] =	stream.indirect_vreg.gather [hbm4b:s1+s3], $0x80, v4, vm0, $0xb8;
	[tilespmem:$0x10100] =	vst v63  }
0x40: {  	s11 =	rddreg [dreg:$0xc]  }
0x41: {  	[tilespmem:s11], [sflag:$0x1] =	stream.indirect_vreg.gather [hbm4b:s4+s3], $0x80, v4, vm0, $0xb8;
	[tilespmem:$0x10100] =	vst v63  }
0x42: {  	s0 =	rddreg [dreg:$0xd]  }
0x43: {  	[tilespmem:s0], [sflag:$0x1] =	stream.indirect_vreg.gather [hbm4b:s5+s3], $0x80, v4, vm0, $0xb8;
	[tilespmem:$0x10100] =	vst v63  }
0x44: {  	s11 =	rddreg [dreg:$0xe]  }
0x45: {  	[tilespmem:s11], [sflag:$0x1] =	stream.indirect_vreg.gather [hbm4b:s6+s3], $0x80, v4, vm0, $0xb8;
	[tilespmem:$0x10100] =	vst v63  }
0x46: {  	s0 =	rddreg [dreg:$0xf]  }
0x47: {  	[tilespmem:s0], [sflag:$0x1] =	stream.indirect_vreg.gather [hbm4b:s7+s3], $0x80, v4, vm0, $0xb8;
	[tilespmem:$0x10100] =	vst v63  }
0x48: {  	s11 =	rddreg [dreg:$0x10]  }
0x49: {  	[tilespmem:s11], [sflag:$0x1] =	stream.indirect_vreg.gather [hbm4b:s8+s3], $0x80, v4, vm0, $0xb8;
	[tilespmem:$0x10100] =	vst v63  }
0x4a: {  	s0 =	rddreg [dreg:$0x11]  }
0x4b: {  	[tilespmem:s0], [sflag:$0x1] =	stream.indirect_vreg.gather [hbm4b:s9+s3], $0x80, v4, vm0, $0xb8;
	[tilespmem:$0x10100] =	vst v63  }
0x4c: {  	s11 =	rddreg [dreg:$0x12]  }
0x4d: {  	[tilespmem:s11], [sflag:$0x1] =	stream.indirect_vreg.gather [hbm4b:s10+s3], $0x80, v4, vm0, $0xb8;
	[tilespmem:$0x10100] =	vst v63  }
0x4e: {  	v4 =	vld [tilespmem:$0x80];
	_ =	sdelay $0x4  }
0x4f: {  	v5 =	vshll.u32 v4, $0x4  }
0x50: {  	v4 =	vand.u32 $0x7, v4;
	v5 =	vand.u32 $0xFFFFFF80, v5  }
0x51: {  	v4 =	vor.u32 v4, v5  }
0x52: {  	v5 =	vperm.xlane v4, v1;
	_ =	sdelay $0x1  }
0x53: {  	v5 =	vadd.s32 v2, v5;
	_ =	sdelay $0x3  }
0x54: {  	s0 =	rddreg [dreg:$0x13]  }
0x55: {  	[tilespmem:s0], [sflag:$0x2] =	stream.indirect_vreg.gather [hbm4b:s1+s3], $0x80, v5, vm0, $0xb8;
	[tilespmem:$0x10100] =	vst v63  }
0x56: {  	s11 =	rddreg [dreg:$0x14]  }
0x57: {  	[tilespmem:s11], [sflag:$0x2] =	stream.indirect_vreg.gather [hbm4b:s4+s3], $0x80, v5, vm0, $0xb8;
	[tilespmem:$0x10100] =	vst v63  }
0x58: {  	s0 =	rddreg [dreg:$0x15]  }
0x59: {  	[tilespmem:s0], [sflag:$0x2] =	stream.indirect_vreg.gather [hbm4b:s5+s3], $0x80, v5, vm0, $0xb8;
	[tilespmem:$0x10100] =	vst v63  }
0x5a: {  	_ = 	snop  }
0x5b: {  	[tilespmem:s14], [sflag:$0x2] =	stream.indirect_vreg.gather [hbm4b:s6+s3], $0x80, v5, vm0, $0xb8;
	[tilespmem:$0x10100] =	vst v63  }
0x5c: {  	_ = 	snop  }
0x5d: {  	[tilespmem:s15], [sflag:$0x2] =	stream.indirect_vreg.gather [hbm4b:s7+s3], $0x80, v5, vm0, $0xb8;
	[tilespmem:$0x10100] =	vst v63  }
0x5e: {  	v4 =	vperm.xlane v4, v3  }
0x5f: {  	[tilespmem:s16], [sflag:$0x2] =	stream.indirect_vreg.gather [hbm4b:s8+s3], $0x80, v5, vm0, $0xb8;
	[tilespmem:$0x10100] =	vst v63  }
0x60: {  	v4 =	vadd.s32 v2, v4  }
0x61: {  	[tilespmem:s17], [sflag:$0x2] =	stream.indirect_vreg.gather [hbm4b:s9+s3], $0x80, v5, vm0, $0xb8;
	[tilespmem:$0x10100] =	vst v63  }
0x62: {  	_ = 	snop  }
0x63: {  	[tilespmem:s18], [sflag:$0x2] =	stream.indirect_vreg.gather [hbm4b:s10+s3], $0x80, v5, vm0, $0xb8;
	[tilespmem:$0x10100] =	vst v63  }
0x64: {  	_ = 	snop  }
0x65: {  	[tilespmem:s19], [sflag:$0x2] =	stream.indirect_vreg.gather [hbm4b:s1+s3], $0x80, v4, vm0, $0xb8;
	[tilespmem:$0x10100] =	vst v63  }
0x66: {  	_ = 	snop  }
0x67: {  	[tilespmem:s20], [sflag:$0x2] =	stream.indirect_vreg.gather [hbm4b:s4+s3], $0x80, v4, vm0, $0xb8;
	[tilespmem:$0x10100] =	vst v63  }
0x68: {  	_ = 	snop  }
0x69: {  	[tilespmem:s21], [sflag:$0x2] =	stream.indirect_vreg.gather [hbm4b:s5+s3], $0x80, v4, vm0, $0xb8;
	[tilespmem:$0x10100] =	vst v63  }
0x6a: {  	_ = 	snop  }
0x6b: {  	[tilespmem:s22], [sflag:$0x2] =	stream.indirect_vreg.gather [hbm4b:s6+s3], $0x80, v4, vm0, $0xb8;
	[tilespmem:$0x10100] =	vst v63  }
0x6c: {  	_ = 	snop  }
0x6d: {  	[tilespmem:s23], [sflag:$0x2] =	stream.indirect_vreg.gather [hbm4b:s7+s3], $0x80, v4, vm0, $0xb8;
	[tilespmem:$0x10100] =	vst v63  }
0x6e: {  	_ = 	snop  }
0x6f: {  	[tilespmem:s24], [sflag:$0x2] =	stream.indirect_vreg.gather [hbm4b:s8+s3], $0x80, v4, vm0, $0xb8;
	[tilespmem:$0x10100] =	vst v63  }
0x70: {  	_ = 	snop  }
0x71: {  	[tilespmem:s25], [sflag:$0x2] =	stream.indirect_vreg.gather [hbm4b:s9+s3], $0x80, v4, vm0, $0xb8;
	[tilespmem:$0x10100] =	vst v63  }
0x72: {  	_ = 	snop  }
0x73: {  	[tilespmem:s26], [sflag:$0x2] =	stream.indirect_vreg.gather [hbm4b:s10+s3], $0x80, v4, vm0, $0xb8;
	[tilespmem:$0x10100] =	vst v63  }
0x74: {  	_ =	swait.ge [sflag:s28], $0x8000  }
0x75: {  	[sflag:s28] =	ssyncset.done $0x0  }
0x76: {  	[sflag:s28] =	ssyncadd.s32 $0xFFFF8000  }
0x77: {  	_ =	swait.ge [sflag:s29], $0x8000  }
0x78: {  	p0 =	sne.s32 s2, $0xF0;
	[sflag:s29] =	ssyncset.done $0x0  }
.Ltmp0:
0x79: {  	[sflag:s29] =	ssyncadd.s32 $0xFFFF8000;
	(pc) =	sbr.rel @p0 .LBB2_2-.Ltmp0, $4  }
0x7a: {  	[hbm4b:s12+s3] =	stream.linear.scatter [tilespmem:s13], [sflag:$0x3], $0x8000, $0x38;
	[tilespmem:$0x10100] =	vst v63  }
0x7b: {  	_ =	swait.ge [sflag:s30], $0x8000  }
0x7c: {  	[sflag:s30] =	ssyncset.done $0x0  }
0x7d: {  	s2 =	sadd.s32 $0x10, s2;
	s12 =	sadd.s32 $0x1000, s12;
	[sflag:s30] =	ssyncadd.s32 $0xFFFF8000  }
0x7e: {  	s31 =	sadd.s32 $0x1, s31;
	s0 =	rddreg [dreg:$0x16]  }
0x7f: {  	p0 =	sne.s32 s31, s0  }
.Ltmp1:
0x80: {  	_ = 	snop;
	(pc) =	sbr.rel @p0 .LBB2_1-.Ltmp1, $1  }
0x81: {  	_ =	sdelay $0x3  }
0x82: {  	_ =	sfence.sel $0x180000  }
0x83: {  	[bflag:$0x0] =	sbarrier.arrive $0xFFFF  }
0x84: {  	_ =	strace $0x90000047  }
0x85: {  	s0 =	stileid.u32;
	[bflag:$0x2] =	sbarrier.arrive $0xFFFF  }
0x86: {  	p0 =	sne.s32 s0, $0x0;
	s0 =	rddreg [dreg:$0x2]  }
0x87: {  	s0 =	sadd.s32 @!p0 $0x100000, s0  }
0x88: {  	[sflag:s0] =	ssyncadd.tile.s32 @!p0 $0x1;
	_ =	shalt  }
.Lfunc_end2:
_tile_overlayer_lowered:
.L_overlay_start_2:
0x89: {  	(tag) =	ssettag $0x2  }
0x8a: {  	s0 =	rddreg [dreg:$0x0];
	s2 =	stileid.u32  }
0x8b: {  	s1 =	rddreg [dreg:$0x1];
	p0 =	sne.s32 s2, $0x0  }
0x8c: {  	s3 =	rddreg [dreg:$0x2];
	[bflag:$0x3] =	sbarrier.arrive $0xFFFF;
	s2 =	simm.s32 @!p0 $0x1C03  }
0x8d: {  	[timem:s3], [sflag:s2] =	dma.local @!p0 [hbm:s0], s1  }
0x8e: {  	s0 =	simm.s32 @!p0 $0x3  }
0x8f: {  	_ =	swait.ge @!p0 [sflag:s0], s1  }
0x90: {  	s1 =	ssub.s32 @!p0 $0x0, s1;
	[sflag:s0] =	ssyncset.done @!p0 $0x0  }
0x91: {  	[sflag:s0] =	ssyncadd.s32 @!p0 s1  }
0x92: {  	[bflag:$0x3] =	sbarrier.arrive $0xFFFF  }
0x93: {  	_ =	shalt  }

</sc_bundles>
